<compile_context>
chip_gen: v7x
topology: tpu7x:2x2x1
jax: 0.10.2.dev20260603
libtpu: 0.0.44.dev20260713+nightly
codegen_flags: <defaults>
</compile_context>

<pallas_src>
import functools

import jax
import jax.numpy as jnp
from jax import lax
from jax.experimental import pallas as pl
from jax.experimental.pallas import tpu as pltpu
from jax.experimental.pallas import tpu_sc as plsc

_CHUNK = 4096
_W = 512
_L = 16
_ROW = 128


def _sc_gather_body(n_cores, b_per_w, x_ref, cidx_ref, out_ref,
                    idx_v, rows_v, sem):
    wid = lax.axis_index("s") * n_cores + lax.axis_index("c")
    base = wid * b_per_w
    pltpu.sync_copy(cidx_ref.at[pl.ds(base, b_per_w)], idx_v)
    pltpu.async_copy(x_ref.at[idx_v], rows_v, sem).wait()
    pltpu.sync_copy(rows_v, out_ref.at[pl.ds(base, b_per_w)])


def _sc_gather_rows(x, chunk_idx_padded, n_pad):
    b, v = x.shape
    info = plsc.get_sparse_core_info()
    n_workers = info.num_cores * info.num_subcores
    b_per_w = n_pad // n_workers
    mesh = plsc.VectorSubcoreMesh(core_axis_name="c", subcore_axis_name="s")
    body = functools.partial(_sc_gather_body, info.num_cores, b_per_w)
    fn = pl.kernel(
        body,
        mesh=mesh,
        out_type=jax.ShapeDtypeStruct((n_pad, _ROW), jnp.float32),
        scratch_types=[
            pltpu.VMEM((b_per_w,), jnp.int32),
            pltpu.VMEM((b_per_w, _ROW), jnp.float32),
            pltpu.SemaphoreType.DMA,
        ],
    )
    return fn(x.reshape(b * v // _ROW, _ROW), chunk_idx_padded)


def _main_body(rows_ref, lane_ref, x_ref, lp_ref, ent_ref, s_ref, t_ref, *,
               n_blocks, v):
    j = pl.program_id(0)
    last = n_blocks - 1

    @pl.when(j == 0)
    def _init():
        s_ref[...] = jnp.zeros_like(s_ref)
        t_ref[...] = jnp.zeros_like(t_ref)

    b = x_ref.shape[0]

    def _accumulate(masked):
        s_part = None
        t_part = None
        for k in range(_CHUNK // _W):
            xs = x_ref[:, k * _W:(k + 1) * _W]
            if masked:
                col = (last * _CHUNK + k * _W + jax.lax.broadcasted_iota(
                    jnp.int32, (b, _W), 1))
                xs = jnp.where(col < v, xs, -30.0)
            es = jnp.exp(xs)
            xes = xs * es
            s_part = es if s_part is None else s_part + es
            t_part = xes if t_part is None else t_part + xes
        s_ref[...] += s_part
        t_ref[...] += t_part

    @pl.when(j < last)
    def _full():
        _accumulate(False)

    @pl.when(j == last)
    def _tail():
        _accumulate(True)

    @pl.when(j == last)
    def _final():
        s = jnp.sum(s_ref[...], axis=1, keepdims=True)
        t = jnp.sum(t_ref[...], axis=1, keepdims=True)
        ls = jnp.log(s)
        lane_iota = jax.lax.broadcasted_iota(jnp.int32, (b, _ROW), 1)
        g = jnp.sum(jnp.where(lane_iota == lane_ref[...], rows_ref[...], 0.0),
                    axis=1, keepdims=True)
        lp_ref[...] = g - ls
        ent_ref[...] = ls - t / s


def kernel(x, info, action):
    del info
    b, v = x.shape
    n_blocks = (v + _CHUNK - 1) // _CHUNK
    a32 = action.astype(jnp.int32)

    flat = a32 + jnp.arange(b, dtype=jnp.int32) * v
    chunk_idx = flat // _ROW
    lane = (flat - chunk_idx * _ROW).reshape(b, 1)
    n_pad = 2 * b
    chunk_pad = jnp.concatenate(
        [chunk_idx, jnp.zeros((n_pad - b,), jnp.int32)])
    rows = _sc_gather_rows(x, chunk_pad, n_pad)[:b]

    body = functools.partial(_main_body, n_blocks=n_blocks, v=v)
    log_prob, entropy = pl.pallas_call(
        body,
        grid=(n_blocks,),
        in_specs=[
            pl.BlockSpec((b, _ROW), lambda j: (0, 0)),
            pl.BlockSpec((b, 1), lambda j: (0, 0)),
            pl.BlockSpec((b, _CHUNK), lambda j: (0, j)),
        ],
        out_specs=[
            pl.BlockSpec((b, 1), lambda j: (0, 0)),
            pl.BlockSpec((b, 1), lambda j: (0, 0)),
        ],
        out_shape=[
            jax.ShapeDtypeStruct((b, 1), jnp.float32),
            jax.ShapeDtypeStruct((b, 1), jnp.float32),
        ],
        scratch_shapes=[
            pltpu.VMEM((b, _W), jnp.float32),
            pltpu.VMEM((b, _W), jnp.float32),
        ],
        compiler_params=pltpu.CompilerParams(
            dimension_semantics=("arbitrary",)),
    )(rows, lane, x)

    return (action, log_prob, entropy)

# --- scband reference (transcript-rebuilt; emitter-appended) ---
"""Pipeline reference for scband-identity-actor-24859270710027 (READ-ONLY COPY).

The authoritative reference and input builder live on the scoring server;
editing this copy changes nothing except your own understanding.
"""

import jax, jax.numpy as jnp
import numpy as np

B = 128
V = 100000

def setup_inputs(seed: int = 0) -> dict:
    key = jax.random.key(seed)
    k1, k2 = jax.random.split(key)
    x = jax.random.normal(k1, (B, V), dtype=jnp.float32)
    info = jnp.zeros((1,), dtype=jnp.int32)
    action = jax.random.randint(k2, (B,), 0, V, dtype=jnp.int32)
    return {"x": x, "info": info, "action": action}

def reference(x, info, action):
    # Faithful translation of IdentityActor.forward with a provided action:
    # dist = Categorical(logits=x); log_prob = dist.log_prob(action); ent = dist.entropy()
    logp = jax.nn.log_softmax(x, axis=-1)
    log_prob = jnp.take_along_axis(logp, action[:, None].astype(jnp.int32), axis=-1)  # [B, 1]
    p = jnp.exp(logp)
    entropy = -jnp.sum(p * logp, axis=-1, keepdims=True)  # [B, 1]
    return (action, log_prob, entropy)

if __name__ == "__main__":
    import jax
    _d = setup_inputs()
    print(jax.jit(kernel)(*tuple(_d.values())))

</pallas_src>

<mosaic_0001>
#map = affine_map<(d0, d1) -> (0, 0)>
#map1 = affine_map<(d0, d1) -> (0)>
module attributes {stable_mosaic.version = 14 : i64} {
  func.func @_sc_gather_body(%arg0: i32, %arg1: i32, %arg2: memref<100000x128xf32, #tpu.memory_space<hbm>>, %arg3: memref<256xi32, #tpu.memory_space<hbm>>, %arg4: memref<256x128xf32, #tpu.memory_space<hbm>>, %arg5: memref<8xi32, #tpu.memory_space<vmem>>, %arg6: memref<8x128xf32, #tpu.memory_space<vmem>>, %arg7: memref<!tpu.dma_semaphore, #tpu.memory_space<semaphore_mem>>) attributes {dimension_semantics = [#tpu.dimension_semantics<core_parallel>, #tpu.dimension_semantics<subcore_parallel>], iteration_bounds = array<i64: 2, 16>, scalar_prefetch = 0 : i64, scratch_operands = 3 : i64, tpu.core_type = #tpu.core_type<sc_vector_subcore>, window_params = [{transform_indices = #map}, {transform_indices = #map1}, {transform_indices = #map}]} {
    %mul3A = arith.constant 2 : i32
    %mul3A_0 = arith.muli %arg1, %mul3A : i32
    %add3A = arith.addi %mul3A_0, %arg0 : i32
    %mul3A_1 = arith.constant 8 : i32
    %mul3A_2 = arith.muli %add3A, %mul3A_1 : i32
    "tpu.region"() ({
      %run_scoped3A = tpu.sem_alloc : memref<!tpu.dma_semaphore, #tpu.memory_space<semaphore_mem>>
      %dma_start3A_7 = tpu.memref_slice %arg3[%mul3A_2] : memref<256xi32, #tpu.memory_space<hbm>> -> memref<8xi32, #tpu.memory_space<hbm>>
      %dma_start3A_8 = tpu.memref_slice %arg3[%mul3A_2] : memref<256xi32, #tpu.memory_space<hbm>> -> memref<8xi32, #tpu.memory_space<hbm>>
      tpu.enqueue_dma source(%dma_start3A_8 : memref<8xi32, #tpu.memory_space<hbm>>) target(%arg5 : memref<8xi32, #tpu.memory_space<vmem>>) target_semaphore(%run_scoped3A : memref<!tpu.dma_semaphore, #tpu.memory_space<semaphore_mem>>)
      %dma_wait3A_9 = tpu.memref_slice %arg3[%mul3A_2] : memref<256xi32, #tpu.memory_space<hbm>> -> memref<8xi32, #tpu.memory_space<hbm>>
      %dma_wait3A_10 = tpu.memref_slice %arg3[%mul3A_2] : memref<256xi32, #tpu.memory_space<hbm>> -> memref<8xi32, #tpu.memory_space<hbm>>
      tpu.wait_dma2 semaphore(%run_scoped3A : memref<!tpu.dma_semaphore, #tpu.memory_space<semaphore_mem>>) src(%dma_wait3A_10 : memref<8xi32, #tpu.memory_space<hbm>>) dst(%arg5 : memref<8xi32, #tpu.memory_space<vmem>>)
      tpu.yield
    }) : () -> ()
    %dma_start3A = arith.constant 0 : i32
    %dma_start3A_3 = arith.constant 0 : i32
    %dma_start3A_4 = tpu.memref_slice %arg2[%dma_start3A, %dma_start3A_3] : memref<100000x128xf32, #tpu.memory_space<hbm>> -> memref<100000x128xf32, #tpu.memory_space<hbm>>
    tpu.enqueue_indirect_dma source(%dma_start3A_4 : memref<100000x128xf32, #tpu.memory_space<hbm>>) target(%arg6 : memref<8x128xf32, #tpu.memory_space<vmem>>) offsets(%arg5 : memref<8xi32, #tpu.memory_space<vmem>>) semaphore(%arg7 : memref<!tpu.dma_semaphore, #tpu.memory_space<semaphore_mem>>)
    %dma_wait3A = arith.constant 0 : i32
    %dma_wait3A_5 = arith.constant 0 : i32
    %dma_wait3A_6 = tpu.memref_slice %arg2[%dma_wait3A, %dma_wait3A_5] : memref<100000x128xf32, #tpu.memory_space<hbm>> -> memref<100000x128xf32, #tpu.memory_space<hbm>>
    tpu.wait_indirect_dma semaphore(%arg7 : memref<!tpu.dma_semaphore, #tpu.memory_space<semaphore_mem>>) src(%dma_wait3A_6 : memref<100000x128xf32, #tpu.memory_space<hbm>>) dst(%arg6 : memref<8x128xf32, #tpu.memory_space<vmem>>)
    "tpu.region"() ({
      %run_scoped3A = tpu.sem_alloc : memref<!tpu.dma_semaphore, #tpu.memory_space<semaphore_mem>>
      %dma_start3A_7 = arith.constant 0 : i32
      %dma_start3A_8 = tpu.memref_slice %arg4[%mul3A_2, %dma_start3A_7] : memref<256x128xf32, #tpu.memory_space<hbm>> -> memref<8x128xf32, #tpu.memory_space<hbm>>
      %dma_start3A_9 = arith.constant 0 : i32
      %dma_start3A_10 = tpu.memref_slice %arg4[%mul3A_2, %dma_start3A_9] : memref<256x128xf32, #tpu.memory_space<hbm>> -> memref<8x128xf32, #tpu.memory_space<hbm>>
      tpu.enqueue_dma source(%arg6 : memref<8x128xf32, #tpu.memory_space<vmem>>) target(%dma_start3A_10 : memref<8x128xf32, #tpu.memory_space<hbm>>) target_semaphore(%run_scoped3A : memref<!tpu.dma_semaphore, #tpu.memory_space<semaphore_mem>>)
      %dma_wait3A_11 = arith.constant 0 : i32
      %dma_wait3A_12 = tpu.memref_slice %arg4[%mul3A_2, %dma_wait3A_11] : memref<256x128xf32, #tpu.memory_space<hbm>> -> memref<8x128xf32, #tpu.memory_space<hbm>>
      %dma_wait3A_13 = arith.constant 0 : i32
      %dma_wait3A_14 = tpu.memref_slice %arg4[%mul3A_2, %dma_wait3A_13] : memref<256x128xf32, #tpu.memory_space<hbm>> -> memref<8x128xf32, #tpu.memory_space<hbm>>
      tpu.wait_dma2 semaphore(%run_scoped3A : memref<!tpu.dma_semaphore, #tpu.memory_space<semaphore_mem>>) src(%arg6 : memref<8x128xf32, #tpu.memory_space<vmem>>) dst(%dma_wait3A_14 : memref<8x128xf32, #tpu.memory_space<hbm>>)
      tpu.yield
    }) : () -> ()
    return
  }
}

module attributes {stable_mosaic.version = 14 : i64} {
  func.func @_main_body(%arg0: i32, %arg1: memref<128x128xf32, #tpu.memory_space<vmem>>, %arg2: memref<128x1xi32, #tpu.memory_space<vmem>>, %arg3: memref<128x4096xf32, #tpu.memory_space<vmem>>, %arg4: memref<128x1xf32, #tpu.memory_space<vmem>>, %arg5: memref<128x1xf32, #tpu.memory_space<vmem>>, %arg6: memref<128x512xf32, #tpu.memory_space<vmem>>, %arg7: memref<128x512xf32, #tpu.memory_space<vmem>>) attributes {dimension_semantics = [#tpu.dimension_semantics<arbitrary>], iteration_bounds = array<i64: 25>, scalar_prefetch = 0 : i64, scratch_operands = 2 : i64, tpu.core_type = #tpu.core_type<tc>, window_params = [{pipeline_mode = #tpu.pipeline_mode<synchronous>, transform_indices = @transform_0, window_bounds = array<i64: 128, 128>}, {pipeline_mode = #tpu.pipeline_mode<synchronous>, transform_indices = @transform_1, window_bounds = array<i64: 128, 1>}, {transform_indices = @transform_2, window_bounds = array<i64: 128, 4096>}, {pipeline_mode = #tpu.pipeline_mode<synchronous>, transform_indices = @transform_3, window_bounds = array<i64: 128, 1>}, {pipeline_mode = #tpu.pipeline_mode<synchronous>, transform_indices = @transform_4, window_bounds = array<i64: 128, 1>}]} {
    %eq3A = arith.constant 0 : i32
    %eq3A_0 = arith.cmpi eq, %arg0, %eq3A : i32
    %convert_element_type3A = arith.extui %eq3A_0 : i1 to i32
    %cond3A = arith.constant 0 : i32
    %cond3A_1 = arith.cmpi ne, %convert_element_type3A, %cond3A : i32
    scf.if %cond3A_1 {
      %broadcast_in_dim3A = arith.constant 0.000000e+00 : f32
      %broadcast_in_dim3A_16 = vector.broadcast %broadcast_in_dim3A : f32 to vector<128x512xf32>
      %swap3A = arith.constant 0 : index
      %swap3A_17 = arith.constant 0 : index
      %swap3A_18 = vector.load %arg6[%swap3A, %swap3A_17] : memref<128x512xf32, #tpu.memory_space<vmem>>, vector<128x512xf32>
      tpu.vector_store %arg6[%swap3A, %swap3A_17], %broadcast_in_dim3A_16 {strides = array<i32>} : memref<128x512xf32, #tpu.memory_space<vmem>>, vector<128x512xf32>,
      %broadcast_in_dim3A_19 = arith.constant 0.000000e+00 : f32
      %broadcast_in_dim3A_20 = vector.broadcast %broadcast_in_dim3A_19 : f32 to vector<128x512xf32>
      %swap3A_21 = arith.constant 0 : index
      %swap3A_22 = arith.constant 0 : index
      %swap3A_23 = vector.load %arg7[%swap3A_21, %swap3A_22] : memref<128x512xf32, #tpu.memory_space<vmem>>, vector<128x512xf32>
      tpu.vector_store %arg7[%swap3A_21, %swap3A_22], %broadcast_in_dim3A_20 {strides = array<i32>} : memref<128x512xf32, #tpu.memory_space<vmem>>, vector<128x512xf32>,
    } else {
    }
    %lt3A = arith.constant 24 : i32
    %lt3A_2 = arith.cmpi slt, %arg0, %lt3A : i32
    %convert_element_type3A_3 = arith.extui %lt3A_2 : i1 to i32
    %cond3A_4 = arith.constant 0 : i32
    %cond3A_5 = arith.cmpi ne, %convert_element_type3A_3, %cond3A_4 : i32
    scf.if %cond3A_5 {
      %get3A = arith.constant 0 : index
      %get3A_16 = arith.constant 0 : index
      %get3A_17 = vector.load %arg3[%get3A, %get3A_16] : memref<128x4096xf32, #tpu.memory_space<vmem>>, vector<128x512xf32>
      %exp3A = math.exp %get3A_17 : vector<128x512xf32>
      %mul3A = arith.mulf %get3A_17, %exp3A : vector<128x512xf32>
      %get3A_18 = arith.constant 0 : index
      %get3A_19 = arith.constant 512 : index
      %get3A_20 = vector.load %arg3[%get3A_18, %get3A_19] : memref<128x4096xf32, #tpu.memory_space<vmem>>, vector<128x512xf32>
      %exp3A_21 = math.exp %get3A_20 : vector<128x512xf32>
      %mul3A_22 = arith.mulf %get3A_20, %exp3A_21 : vector<128x512xf32>
      %add3A = arith.addf %exp3A, %exp3A_21 : vector<128x512xf32>
      %add3A_23 = arith.addf %mul3A, %mul3A_22 : vector<128x512xf32>
      %get3A_24 = arith.constant 0 : index
      %get3A_25 = arith.constant 1024 : index
      %get3A_26 = vector.load %arg3[%get3A_24, %get3A_25] : memref<128x4096xf32, #tpu.memory_space<vmem>>, vector<128x512xf32>
      %exp3A_27 = math.exp %get3A_26 : vector<128x512xf32>
      %mul3A_28 = arith.mulf %get3A_26, %exp3A_27 : vector<128x512xf32>
      %add3A_29 = arith.addf %add3A, %exp3A_27 : vector<128x512xf32>
      %add3A_30 = arith.addf %add3A_23, %mul3A_28 : vector<128x512xf32>
      %get3A_31 = arith.constant 0 : index
      %get3A_32 = arith.constant 1536 : index
      %get3A_33 = vector.load %arg3[%get3A_31, %get3A_32] : memref<128x4096xf32, #tpu.memory_space<vmem>>, vector<128x512xf32>
      %exp3A_34 = math.exp %get3A_33 : vector<128x512xf32>
      %mul3A_35 = arith.mulf %get3A_33, %exp3A_34 : vector<128x512xf32>
      %add3A_36 = arith.addf %add3A_29, %exp3A_34 : vector<128x512xf32>
      %add3A_37 = arith.addf %add3A_30, %mul3A_35 : vector<128x512xf32>
      %get3A_38 = arith.constant 0 : index
      %get3A_39 = arith.constant 2048 : index
      %get3A_40 = vector.load %arg3[%get3A_38, %get3A_39] : memref<128x4096xf32, #tpu.memory_space<vmem>>, vector<128x512xf32>
      %exp3A_41 = math.exp %get3A_40 : vector<128x512xf32>
      %mul3A_42 = arith.mulf %get3A_40, %exp3A_41 : vector<128x512xf32>
      %add3A_43 = arith.addf %add3A_36, %exp3A_41 : vector<128x512xf32>
      %add3A_44 = arith.addf %add3A_37, %mul3A_42 : vector<128x512xf32>
      %get3A_45 = arith.constant 0 : index
      %get3A_46 = arith.constant 2560 : index
      %get3A_47 = vector.load %arg3[%get3A_45, %get3A_46] : memref<128x4096xf32, #tpu.memory_space<vmem>>, vector<128x512xf32>
      %exp3A_48 = math.exp %get3A_47 : vector<128x512xf32>
      %mul3A_49 = arith.mulf %get3A_47, %exp3A_48 : vector<128x512xf32>
      %add3A_50 = arith.addf %add3A_43, %exp3A_48 : vector<128x512xf32>
      %add3A_51 = arith.addf %add3A_44, %mul3A_49 : vector<128x512xf32>
      %get3A_52 = arith.constant 0 : index
      %get3A_53 = arith.constant 3072 : index
      %get3A_54 = vector.load %arg3[%get3A_52, %get3A_53] : memref<128x4096xf32, #tpu.memory_space<vmem>>, vector<128x512xf32>
      %exp3A_55 = math.exp %get3A_54 : vector<128x512xf32>
      %mul3A_56 = arith.mulf %get3A_54, %exp3A_55 : vector<128x512xf32>
      %add3A_57 = arith.addf %add3A_50, %exp3A_55 : vector<128x512xf32>
      %add3A_58 = arith.addf %add3A_51, %mul3A_56 : vector<128x512xf32>
      %get3A_59 = arith.constant 0 : index
      %get3A_60 = arith.constant 3584 : index
      %get3A_61 = vector.load %arg3[%get3A_59, %get3A_60] : memref<128x4096xf32, #tpu.memory_space<vmem>>, vector<128x512xf32>
      %exp3A_62 = math.exp %get3A_61 : vector<128x512xf32>
      %mul3A_63 = arith.mulf %get3A_61, %exp3A_62 : vector<128x512xf32>
      %add3A_64 = arith.addf %add3A_57, %exp3A_62 : vector<128x512xf32>
      %add3A_65 = arith.addf %add3A_58, %mul3A_63 : vector<128x512xf32>
      %get3A_66 = arith.constant 0 : index
      %get3A_67 = arith.constant 0 : index
      %get3A_68 = vector.load %arg6[%get3A_66, %get3A_67] : memref<128x512xf32, #tpu.memory_space<vmem>>, vector<128x512xf32>
      %add3A_69 = arith.addf %get3A_68, %add3A_64 : vector<128x512xf32>
      %swap3A = arith.constant 0 : index
      %swap3A_70 = arith.constant 0 : index
      %swap3A_71 = vector.load %arg6[%swap3A, %swap3A_70] : memref<128x512xf32, #tpu.memory_space<vmem>>, vector<128x512xf32>
      tpu.vector_store %arg6[%swap3A, %swap3A_70], %add3A_69 {strides = array<i32>} : memref<128x512xf32, #tpu.memory_space<vmem>>, vector<128x512xf32>,
      %get3A_72 = arith.constant 0 : index
      %get3A_73 = arith.constant 0 : index
      %get3A_74 = vector.load %arg7[%get3A_72, %get3A_73] : memref<128x512xf32, #tpu.memory_space<vmem>>, vector<128x512xf32>
      %add3A_75 = arith.addf %get3A_74, %add3A_65 : vector<128x512xf32>
      %swap3A_76 = arith.constant 0 : index
      %swap3A_77 = arith.constant 0 : index
      %swap3A_78 = vector.load %arg7[%swap3A_76, %swap3A_77] : memref<128x512xf32, #tpu.memory_space<vmem>>, vector<128x512xf32>
      tpu.vector_store %arg7[%swap3A_76, %swap3A_77], %add3A_75 {strides = array<i32>} : memref<128x512xf32, #tpu.memory_space<vmem>>, vector<128x512xf32>,
    } else {
    }
    %eq3A_6 = arith.constant 24 : i32
    %eq3A_7 = arith.cmpi eq, %arg0, %eq3A_6 : i32
    %convert_element_type3A_8 = arith.extui %eq3A_7 : i1 to i32
    %cond3A_9 = arith.constant 0 : i32
    %cond3A_10 = arith.cmpi ne, %convert_element_type3A_8, %cond3A_9 : i32
    scf.if %cond3A_10 {
      %get3A = arith.constant 0 : index
      %get3A_16 = arith.constant 0 : index
      %get3A_17 = vector.load %arg3[%get3A, %get3A_16] : memref<128x4096xf32, #tpu.memory_space<vmem>>, vector<128x512xf32>
      %iota3A = tpu.iota {dimensions = array<i32: 1>} : vector<128x512xi32>
      %add3A = arith.constant 98304 : i32
      %add3A_18 = vector.broadcast %add3A : i32 to vector<128x512xi32>
      %add3A_19 = arith.addi %add3A_18, %iota3A : vector<128x512xi32>
      %lt3A_20 = arith.constant 100000 : i32
      %lt3A_21 = vector.broadcast %lt3A_20 : i32 to vector<128x512xi32>
      %lt3A_22 = arith.cmpi slt, %add3A_19, %lt3A_21 : vector<128x512xi32>
      %jit3A = arith.constant -3.000000e+01 : f32
      %broadcast_in_dim3A = vector.broadcast %jit3A : f32 to vector<128x512xf32>
      %select_n3A = arith.select %lt3A_22, %get3A_17, %broadcast_in_dim3A : vector<128x512xi1>, vector<128x512xf32>
      %exp3A = math.exp %select_n3A : vector<128x512xf32>
      %mul3A = arith.mulf %select_n3A, %exp3A : vector<128x512xf32>
      %get3A_23 = arith.constant 0 : index
      %get3A_24 = arith.constant 512 : index
      %get3A_25 = vector.load %arg3[%get3A_23, %get3A_24] : memref<128x4096xf32, #tpu.memory_space<vmem>>, vector<128x512xf32>
      %iota3A_26 = tpu.iota {dimensions = array<i32: 1>} : vector<128x512xi32>
      %add3A_27 = arith.constant 98816 : i32
      %add3A_28 = vector.broadcast %add3A_27 : i32 to vector<128x512xi32>
      %add3A_29 = arith.addi %add3A_28, %iota3A_26 : vector<128x512xi32>
      %lt3A_30 = arith.constant 100000 : i32
      %lt3A_31 = vector.broadcast %lt3A_30 : i32 to vector<128x512xi32>
      %lt3A_32 = arith.cmpi slt, %add3A_29, %lt3A_31 : vector<128x512xi32>
      %jit3A_33 = arith.constant -3.000000e+01 : f32
      %broadcast_in_dim3A_34 = vector.broadcast %jit3A_33 : f32 to vector<128x512xf32>
      %select_n3A_35 = arith.select %lt3A_32, %get3A_25, %broadcast_in_dim3A_34 : vector<128x512xi1>, vector<128x512xf32>
      %exp3A_36 = math.exp %select_n3A_35 : vector<128x512xf32>
      %mul3A_37 = arith.mulf %select_n3A_35, %exp3A_36 : vector<128x512xf32>
      %add3A_38 = arith.addf %exp3A, %exp3A_36 : vector<128x512xf32>
      %add3A_39 = arith.addf %mul3A, %mul3A_37 : vector<128x512xf32>
      %get3A_40 = arith.constant 0 : index
      %get3A_41 = arith.constant 1024 : index
      %get3A_42 = vector.load %arg3[%get3A_40, %get3A_41] : memref<128x4096xf32, #tpu.memory_space<vmem>>, vector<128x512xf32>
      %iota3A_43 = tpu.iota {dimensions = array<i32: 1>} : vector<128x512xi32>
      %add3A_44 = arith.constant 99328 : i32
      %add3A_45 = vector.broadcast %add3A_44 : i32 to vector<128x512xi32>
      %add3A_46 = arith.addi %add3A_45, %iota3A_43 : vector<128x512xi32>
      %lt3A_47 = arith.constant 100000 : i32
      %lt3A_48 = vector.broadcast %lt3A_47 : i32 to vector<128x512xi32>
      %lt3A_49 = arith.cmpi slt, %add3A_46, %lt3A_48 : vector<128x512xi32>
      %jit3A_50 = arith.constant -3.000000e+01 : f32
      %broadcast_in_dim3A_51 = vector.broadcast %jit3A_50 : f32 to vector<128x512xf32>
      %select_n3A_52 = arith.select %lt3A_49, %get3A_42, %broadcast_in_dim3A_51 : vector<128x512xi1>, vector<128x512xf32>
      %exp3A_53 = math.exp %select_n3A_52 : vector<128x512xf32>
      %mul3A_54 = arith.mulf %select_n3A_52, %exp3A_53 : vector<128x512xf32>
      %add3A_55 = arith.addf %add3A_38, %exp3A_53 : vector<128x512xf32>
      %add3A_56 = arith.addf %add3A_39, %mul3A_54 : vector<128x512xf32>
      %get3A_57 = arith.constant 0 : index
      %get3A_58 = arith.constant 1536 : index
      %get3A_59 = vector.load %arg3[%get3A_57, %get3A_58] : memref<128x4096xf32, #tpu.memory_space<vmem>>, vector<128x512xf32>
      %iota3A_60 = tpu.iota {dimensions = array<i32: 1>} : vector<128x512xi32>
      %add3A_61 = arith.constant 99840 : i32
      %add3A_62 = vector.broadcast %add3A_61 : i32 to vector<128x512xi32>
      %add3A_63 = arith.addi %add3A_62, %iota3A_60 : vector<128x512xi32>
      %lt3A_64 = arith.constant 100000 : i32
      %lt3A_65 = vector.broadcast %lt3A_64 : i32 to vector<128x512xi32>
      %lt3A_66 = arith.cmpi slt, %add3A_63, %lt3A_65 : vector<128x512xi32>
      %jit3A_67 = arith.constant -3.000000e+01 : f32
      %broadcast_in_dim3A_68 = vector.broadcast %jit3A_67 : f32 to vector<128x512xf32>
      %select_n3A_69 = arith.select %lt3A_66, %get3A_59, %broadcast_in_dim3A_68 : vector<128x512xi1>, vector<128x512xf32>
      %exp3A_70 = math.exp %select_n3A_69 : vector<128x512xf32>
      %mul3A_71 = arith.mulf %select_n3A_69, %exp3A_70 : vector<128x512xf32>
      %add3A_72 = arith.addf %add3A_55, %exp3A_70 : vector<128x512xf32>
      %add3A_73 = arith.addf %add3A_56, %mul3A_71 : vector<128x512xf32>
      %get3A_74 = arith.constant 0 : index
      %get3A_75 = arith.constant 2048 : index
      %get3A_76 = vector.load %arg3[%get3A_74, %get3A_75] : memref<128x4096xf32, #tpu.memory_space<vmem>>, vector<128x512xf32>
      %iota3A_77 = tpu.iota {dimensions = array<i32: 1>} : vector<128x512xi32>
      %add3A_78 = arith.constant 100352 : i32
      %add3A_79 = vector.broadcast %add3A_78 : i32 to vector<128x512xi32>
      %add3A_80 = arith.addi %add3A_79, %iota3A_77 : vector<128x512xi32>
      %lt3A_81 = arith.constant 100000 : i32
      %lt3A_82 = vector.broadcast %lt3A_81 : i32 to vector<128x512xi32>
      %lt3A_83 = arith.cmpi slt, %add3A_80, %lt3A_82 : vector<128x512xi32>
      %jit3A_84 = arith.constant -3.000000e+01 : f32
      %broadcast_in_dim3A_85 = vector.broadcast %jit3A_84 : f32 to vector<128x512xf32>
      %select_n3A_86 = arith.select %lt3A_83, %get3A_76, %broadcast_in_dim3A_85 : vector<128x512xi1>, vector<128x512xf32>
      %exp3A_87 = math.exp %select_n3A_86 : vector<128x512xf32>
      %mul3A_88 = arith.mulf %select_n3A_86, %exp3A_87 : vector<128x512xf32>
      %add3A_89 = arith.addf %add3A_72, %exp3A_87 : vector<128x512xf32>
      %add3A_90 = arith.addf %add3A_73, %mul3A_88 : vector<128x512xf32>
      %get3A_91 = arith.constant 0 : index
      %get3A_92 = arith.constant 2560 : index
      %get3A_93 = vector.load %arg3[%get3A_91, %get3A_92] : memref<128x4096xf32, #tpu.memory_space<vmem>>, vector<128x512xf32>
      %iota3A_94 = tpu.iota {dimensions = array<i32: 1>} : vector<128x512xi32>
      %add3A_95 = arith.constant 100864 : i32
      %add3A_96 = vector.broadcast %add3A_95 : i32 to vector<128x512xi32>
      %add3A_97 = arith.addi %add3A_96, %iota3A_94 : vector<128x512xi32>
      %lt3A_98 = arith.constant 100000 : i32
      %lt3A_99 = vector.broadcast %lt3A_98 : i32 to vector<128x512xi32>
      %lt3A_100 = arith.cmpi slt, %add3A_97, %lt3A_99 : vector<128x512xi32>
      %jit3A_101 = arith.constant -3.000000e+01 : f32
      %broadcast_in_dim3A_102 = vector.broadcast %jit3A_101 : f32 to vector<128x512xf32>
      %select_n3A_103 = arith.select %lt3A_100, %get3A_93, %broadcast_in_dim3A_102 : vector<128x512xi1>, vector<128x512xf32>
      %exp3A_104 = math.exp %select_n3A_103 : vector<128x512xf32>
      %mul3A_105 = arith.mulf %select_n3A_103, %exp3A_104 : vector<128x512xf32>
      %add3A_106 = arith.addf %add3A_89, %exp3A_104 : vector<128x512xf32>
      %add3A_107 = arith.addf %add3A_90, %mul3A_105 : vector<128x512xf32>
      %get3A_108 = arith.constant 0 : index
      %get3A_109 = arith.constant 3072 : index
      %get3A_110 = vector.load %arg3[%get3A_108, %get3A_109] : memref<128x4096xf32, #tpu.memory_space<vmem>>, vector<128x512xf32>
      %iota3A_111 = tpu.iota {dimensions = array<i32: 1>} : vector<128x512xi32>
      %add3A_112 = arith.constant 101376 : i32
      %add3A_113 = vector.broadcast %add3A_112 : i32 to vector<128x512xi32>
      %add3A_114 = arith.addi %add3A_113, %iota3A_111 : vector<128x512xi32>
      %lt3A_115 = arith.constant 100000 : i32
      %lt3A_116 = vector.broadcast %lt3A_115 : i32 to vector<128x512xi32>
      %lt3A_117 = arith.cmpi slt, %add3A_114, %lt3A_116 : vector<128x512xi32>
      %jit3A_118 = arith.constant -3.000000e+01 : f32
      %broadcast_in_dim3A_119 = vector.broadcast %jit3A_118 : f32 to vector<128x512xf32>
      %select_n3A_120 = arith.select %lt3A_117, %get3A_110, %broadcast_in_dim3A_119 : vector<128x512xi1>, vector<128x512xf32>
      %exp3A_121 = math.exp %select_n3A_120 : vector<128x512xf32>
      %mul3A_122 = arith.mulf %select_n3A_120, %exp3A_121 : vector<128x512xf32>
      %add3A_123 = arith.addf %add3A_106, %exp3A_121 : vector<128x512xf32>
      %add3A_124 = arith.addf %add3A_107, %mul3A_122 : vector<128x512xf32>
      %get3A_125 = arith.constant 0 : index
      %get3A_126 = arith.constant 3584 : index
      %get3A_127 = vector.load %arg3[%get3A_125, %get3A_126] : memref<128x4096xf32, #tpu.memory_space<vmem>>, vector<128x512xf32>
      %iota3A_128 = tpu.iota {dimensions = array<i32: 1>} : vector<128x512xi32>
      %add3A_129 = arith.constant 101888 : i32
      %add3A_130 = vector.broadcast %add3A_129 : i32 to vector<128x512xi32>
      %add3A_131 = arith.addi %add3A_130, %iota3A_128 : vector<128x512xi32>
      %lt3A_132 = arith.constant 100000 : i32
      %lt3A_133 = vector.broadcast %lt3A_132 : i32 to vector<128x512xi32>
      %lt3A_134 = arith.cmpi slt, %add3A_131, %lt3A_133 : vector<128x512xi32>
      %jit3A_135 = arith.constant -3.000000e+01 : f32
      %broadcast_in_dim3A_136 = vector.broadcast %jit3A_135 : f32 to vector<128x512xf32>
      %select_n3A_137 = arith.select %lt3A_134, %get3A_127, %broadcast_in_dim3A_136 : vector<128x512xi1>, vector<128x512xf32>
      %exp3A_138 = math.exp %select_n3A_137 : vector<128x512xf32>
      %mul3A_139 = arith.mulf %select_n3A_137, %exp3A_138 : vector<128x512xf32>
      %add3A_140 = arith.addf %add3A_123, %exp3A_138 : vector<128x512xf32>
      %add3A_141 = arith.addf %add3A_124, %mul3A_139 : vector<128x512xf32>
      %get3A_142 = arith.constant 0 : index
      %get3A_143 = arith.constant 0 : index
      %get3A_144 = vector.load %arg6[%get3A_142, %get3A_143] : memref<128x512xf32, #tpu.memory_space<vmem>>, vector<128x512xf32>
      %add3A_145 = arith.addf %get3A_144, %add3A_140 : vector<128x512xf32>
      %swap3A = arith.constant 0 : index
      %swap3A_146 = arith.constant 0 : index
      %swap3A_147 = vector.load %arg6[%swap3A, %swap3A_146] : memref<128x512xf32, #tpu.memory_space<vmem>>, vector<128x512xf32>
      tpu.vector_store %arg6[%swap3A, %swap3A_146], %add3A_145 {strides = array<i32>} : memref<128x512xf32, #tpu.memory_space<vmem>>, vector<128x512xf32>,
      %get3A_148 = arith.constant 0 : index
      %get3A_149 = arith.constant 0 : index
      %get3A_150 = vector.load %arg7[%get3A_148, %get3A_149] : memref<128x512xf32, #tpu.memory_space<vmem>>, vector<128x512xf32>
      %add3A_151 = arith.addf %get3A_150, %add3A_141 : vector<128x512xf32>
      %swap3A_152 = arith.constant 0 : index
      %swap3A_153 = arith.constant 0 : index
      %swap3A_154 = vector.load %arg7[%swap3A_152, %swap3A_153] : memref<128x512xf32, #tpu.memory_space<vmem>>, vector<128x512xf32>
      tpu.vector_store %arg7[%swap3A_152, %swap3A_153], %add3A_151 {strides = array<i32>} : memref<128x512xf32, #tpu.memory_space<vmem>>, vector<128x512xf32>,
    } else {
    }
    %eq3A_11 = arith.constant 24 : i32
    %eq3A_12 = arith.cmpi eq, %arg0, %eq3A_11 : i32
    %convert_element_type3A_13 = arith.extui %eq3A_12 : i1 to i32
    %cond3A_14 = arith.constant 0 : i32
    %cond3A_15 = arith.cmpi ne, %convert_element_type3A_13, %cond3A_14 : i32
    scf.if %cond3A_15 {
      %get3A = arith.constant 0 : index
      %get3A_16 = arith.constant 0 : index
      %get3A_17 = vector.load %arg6[%get3A, %get3A_16] : memref<128x512xf32, #tpu.memory_space<vmem>>, vector<128x512xf32>
      %reduce_sum3A = arith.constant dense<0.000000e+00> : vector<128xf32>
      %reduce_sum3A_18 = vector.multi_reduction <add>, %get3A_17, %reduce_sum3A [1] : vector<128x512xf32> to vector<128xf32>
      %broadcast_in_dim3A = vector.shape_cast %reduce_sum3A_18 : vector<128xf32> to vector<128x1xf32>
      %get3A_19 = arith.constant 0 : index
      %get3A_20 = arith.constant 0 : index
      %get3A_21 = vector.load %arg7[%get3A_19, %get3A_20] : memref<128x512xf32, #tpu.memory_space<vmem>>, vector<128x512xf32>
      %reduce_sum3A_22 = arith.constant dense<0.000000e+00> : vector<128xf32>
      %reduce_sum3A_23 = vector.multi_reduction <add>, %get3A_21, %reduce_sum3A_22 [1] : vector<128x512xf32> to vector<128xf32>
      %broadcast_in_dim3A_24 = vector.shape_cast %reduce_sum3A_23 : vector<128xf32> to vector<128x1xf32>
      %log3A = math.log %broadcast_in_dim3A : vector<128x1xf32>
      %iota3A = tpu.iota {dimensions = array<i32: 1>} : vector<128x128xi32>
      %get3A_25 = arith.constant 0 : index
      %get3A_26 = arith.constant 0 : index
      %get3A_27 = vector.load %arg2[%get3A_25, %get3A_26] : memref<128x1xi32, #tpu.memory_space<vmem>>, vector<128x1xi32>
      %eq3A_28 = vector.broadcast %get3A_27 : vector<128x1xi32> to vector<128x128xi32>
      %eq3A_29 = arith.cmpi eq, %iota3A, %eq3A_28 : vector<128x128xi32>
      %get3A_30 = arith.constant 0 : index
      %get3A_31 = arith.constant 0 : index
      %get3A_32 = vector.load %arg1[%get3A_30, %get3A_31] : memref<128x128xf32, #tpu.memory_space<vmem>>, vector<128x128xf32>
      %jit3A = arith.constant 0.000000e+00 : f32
      %broadcast_in_dim3A_33 = vector.broadcast %jit3A : f32 to vector<128x128xf32>
      %select_n3A = arith.select %eq3A_29, %get3A_32, %broadcast_in_dim3A_33 : vector<128x128xi1>, vector<128x128xf32>
      %reduce_sum3A_34 = arith.constant dense<0.000000e+00> : vector<128xf32>
      %reduce_sum3A_35 = vector.multi_reduction <add>, %select_n3A, %reduce_sum3A_34 [1] : vector<128x128xf32> to vector<128xf32>
      %broadcast_in_dim3A_36 = vector.shape_cast %reduce_sum3A_35 : vector<128xf32> to vector<128x1xf32>
      %sub3A = arith.subf %broadcast_in_dim3A_36, %log3A : vector<128x1xf32>
      %swap3A = arith.constant 0 : index
      %swap3A_37 = arith.constant 0 : index
      %swap3A_38 = vector.load %arg4[%swap3A, %swap3A_37] : memref<128x1xf32, #tpu.memory_space<vmem>>, vector<128x1xf32>
      tpu.vector_store %arg4[%swap3A, %swap3A_37], %sub3A {strides = array<i32>} : memref<128x1xf32, #tpu.memory_space<vmem>>, vector<128x1xf32>,
      %div3A = arith.divf %broadcast_in_dim3A_24, %broadcast_in_dim3A : vector<128x1xf32>
      %sub3A_39 = arith.subf %log3A, %div3A : vector<128x1xf32>
      %swap3A_40 = arith.constant 0 : index
      %swap3A_41 = arith.constant 0 : index
      %swap3A_42 = vector.load %arg5[%swap3A_40, %swap3A_41] : memref<128x1xf32, #tpu.memory_space<vmem>>, vector<128x1xf32>
      tpu.vector_store %arg5[%swap3A_40, %swap3A_41], %sub3A_39 {strides = array<i32>} : memref<128x1xf32, #tpu.memory_space<vmem>>, vector<128x1xf32>,
    } else {
    }
    return
  }
  func.func @transform_0(%arg0: i32) -> (i32, i32) {
    %c0_i32 = arith.constant 0 : i32
    %c0_i32_0 = arith.constant 0 : i32
    %c0_i32_1 = arith.constant 0 : i32
    return %c0_i32, %c0_i32_0 : i32, i32
  }
  func.func @transform_1(%arg0: i32) -> (i32, i32) {
    %c0_i32 = arith.constant 0 : i32
    %c0_i32_0 = arith.constant 0 : i32
    %c0_i32_1 = arith.constant 0 : i32
    return %c0_i32, %c0_i32_0 : i32, i32
  }
  func.func @transform_2(%arg0: i32) -> (i32, i32) {
    %c0_i32 = arith.constant 0 : i32
    %c0_i32_0 = arith.constant 0 : i32
    return %c0_i32, %arg0 : i32, i32
  }
  func.func @transform_3(%arg0: i32) -> (i32, i32) {
    %c0_i32 = arith.constant 0 : i32
    %c0_i32_0 = arith.constant 0 : i32
    %c0_i32_1 = arith.constant 0 : i32
    return %c0_i32, %c0_i32_0 : i32, i32
  }
  func.func @transform_4(%arg0: i32) -> (i32, i32) {
    %c0_i32 = arith.constant 0 : i32
    %c0_i32_0 = arith.constant 0 : i32
    %c0_i32_1 = arith.constant 0 : i32
    return %c0_i32, %c0_i32_0 : i32, i32
  }
}

</mosaic_0001>

<sc_bundles>
// kernel: kernel.4.cloned.1.call-start
scs
__scs_entry_jumppad:
0x0: {  	(pc) =	sbr.rel $0x88, $3  }
0x1: {  	(tag) =	ssettag $0x0;
	lr =	simm.s32 $0x1  }
0x2: {  	[smem:$0x3F9F] =	sst lr;
	_ =	strace $0xD0000000  }
0x3: {  	_ = 	snop  }
0x4: {  	_ = 	snop  }
0x5: {  	_ = 	snop  }
0x6: {  	_ = 	snop  }
0x7: {  	_ = 	snop  }
__scs_overlays_trampoline_lowered:
0x8: {  	[smem:$0x3FAE] =	sst s0  }
0x9: {  	[smem:$0x3FAF] =	sst s1  }
0xa: {  	[smem:$0x3FB0] =	sst s2  }
0xb: {  	[smem:$0x3FB1] =	sst s3  }
0xc: {  	[smem:$0x3FB2] =	sst s4  }
0xd: {  	[smem:$0x3FB3] =	sst s5  }
0xe: {  	[smem:$0x3FB4] =	sst s6  }
0xf: {  	[smem:$0x3FB5] =	sst s7  }
0x10: {  	[smem:$0x3FB6] =	sst s8  }
0x11: {  	[smem:$0x3FB7] =	sst s9;
	s0 =	simm.s32 @!p0 $0x0  }
0x12: {  	s1 =	sld [smem:$0x3F9D];
	s0 =	simm.s32 @p0 $0x1  }
0x13: {  	[smem:$0x3FB8] =	sst s0;
	s0 =	simm.s32 @!p1 $0x0  }
0x14: {  	s2 =	sld [smem:$0x3F9C];
	s0 =	simm.s32 @p1 $0x1  }
0x15: {  	[smem:$0x3FB9] =	sst s0;
	s0 =	simm.s32 @!p2 $0x0  }
0x16: {  	s3 =	sld [smem:$0x3FDB];
	s0 =	simm.s32 @p2 $0x1  }
0x17: {  	s4 =	simm.s32 $0x1BF5;
	[smem:$0x3FBB] =	sst s0  }
0x18: {  	s0 =	sld [smem:$0x3F9E];
	_ =	swait.ge [sflag:s4], $0x0  }
0x19: {  	s7 =	sld [smem:$0x3F9F]  }
0x1a: {  	s8 =	sadd.s32 $0xFFFFE003, lr  }
0x1b: {  	s9 =	sadd.s32 $0xFFFFFEF7, lr;
	s5 =	simm.s32 $0xFFFFFFFF;
	p2 =	slt.u32 s8, $0xFFFFF086  }
0x1c: {  	p1 =	slt.u32 s9, $0xF7A;
	s5 =	simm.s32 @!p2 $0x0  }
0x1d: {  	s5 =	simm.s32 @p1 $0x1;
	p0 =	seq.s32 s7, s2  }
0x1e: {  	s7 =	smul.u32 @!p0 $0xF7A, s2;
	p2 =	seq.s32 @!p0 s5, $0x0  }
0x1f: {  	s9 =	smul.u32 $0xF7A, s1;
	s8 =	simm.s32 @!p0 $0x1BF5;
	p2 =	por !p2, p0  }
0x20: {  	[sflag:s8] =	ssyncset.s32 @!p0 $0xFFFFF086;
	s6 =	sadd.s32 @!p0 s3, s7;
	s7 =	simm.s32 @!p0 $0x108  }
0x21: {  	s3 =	sadd.s32 s3, s9;
	s6 =	sadd.s32 @!p0 $0x88, s6;
	s7 =	simm.s32 @p2 $0x1082  }
0x22: {  	[simem:s7], [sflag:s8] =	dma.local @!p0 [hbm:s6], $0xF7A  }
0x23: {  	s9 =	sor.u32 $0xD0000000, s2;
	s6 =	simm.s32 $0x108;
	_ =	swait.ge @!p0 [sflag:s8], $0x0  }
0x24: {  	s3 =	sadd.s32 $0x88, s3;
	s6 =	simm.s32 @!p1 $0x1082;
	[sflag:s4] =	ssyncset.s32 $0xFFFFF086  }
0x25: {  	[simem:s6], [sflag:s4] =	dma.local [hbm:s3], $0xF7A  }
0x26: {  	[smem:$0x3F9F] =	sst s1;
	(tag) =	ssettag s2;
	_ =	strace s9  }
0x27: {  	s1 =	sld [smem:$0x3FAF]  }
0x28: {  	s2 =	sld [smem:$0x3FB0]  }
0x29: {  	s4 =	sld [smem:$0x3FB2]  }
0x2a: {  	p0 =	seq.s32 s5, $0x0;
	s5 =	sld [smem:$0x3FB3]  }
0x2b: {  	s6 =	sld [smem:$0x3FB4]  }
0x2c: {  	s7 =	sld [smem:$0x3FB5]  }
0x2d: {  	s3 =	simm.s32 $0x108;
	s8 =	sld [smem:$0x3FB6]  }
0x2e: {  	s3 =	simm.s32 @!p0 $0x1082;
	s9 =	sld [smem:$0x3FB7]  }
0x2f: {  	lr =	sadd.s32 s0, s3;
	s0 =	sld [smem:$0x3FAE]  }
0x30: {  	s3 =	sld [smem:$0x3FB1]  }
0x31: {  	[smem:$0x3FBA] =	sst s10  }
0x32: {  	s10 =	sld [smem:$0x3FB8];
	_ =	sdelay $0x3  }
0x33: {  	p0 =	seq.s32 s10, $0x1;
	s10 =	sld [smem:$0x3FBA];
	_ =	sdelay $0x3  }
0x34: {  	[smem:$0x3FBA] =	sst s10  }
0x35: {  	s10 =	sld [smem:$0x3FB9];
	_ =	sdelay $0x3  }
0x36: {  	p1 =	seq.s32 s10, $0x1;
	s10 =	sld [smem:$0x3FBA];
	_ =	sdelay $0x3  }
0x37: {  	[smem:$0x3FBA] =	sst s10  }
0x38: {  	s10 =	sld [smem:$0x3FBB]  }
0x39: {  	_ = 	snop;
	(pc) =	sbr.ind lr, $3  }
0x3a: {  	_ = 	snop  }
0x3b: {  	_ = 	snop  }
0x3c: {  	p2 =	seq.s32 s10, $0x1;
	s10 =	sld [smem:$0x3FBA]  }
0x3d: {  	_ =	shalt  }
0x3e: {  	_ =	shalt  }
0x3f: {  	_ =	shalt  }
0x40: {  	_ =	shalt  }
0x41: {  	_ =	shalt  }
0x42: {  	_ =	shalt  }
0x43: {  	_ =	shalt  }
0x44: {  	_ =	shalt  }
0x45: {  	_ =	shalt  }
0x46: {  	_ =	shalt  }
0x47: {  	_ =	shalt  }
0x48: {  	_ =	shalt  }
0x49: {  	_ =	shalt  }
0x4a: {  	_ =	shalt  }
0x4b: {  	_ =	shalt  }
0x4c: {  	_ =	shalt  }
0x4d: {  	_ =	shalt  }
0x4e: {  	_ =	shalt  }
0x4f: {  	_ =	shalt  }
0x50: {  	_ =	shalt  }
0x51: {  	_ =	shalt  }
0x52: {  	_ =	shalt  }
0x53: {  	_ =	shalt  }
0x54: {  	_ =	shalt  }
0x55: {  	_ =	shalt  }
0x56: {  	_ =	shalt  }
0x57: {  	_ =	shalt  }
0x58: {  	_ =	shalt  }
0x59: {  	_ =	shalt  }
0x5a: {  	_ =	shalt  }
0x5b: {  	_ =	shalt  }
0x5c: {  	_ =	shalt  }
0x5d: {  	_ =	shalt  }
0x5e: {  	_ =	shalt  }
0x5f: {  	_ =	shalt  }
0x60: {  	_ =	shalt  }
0x61: {  	_ =	shalt  }
0x62: {  	_ =	shalt  }
0x63: {  	_ =	shalt  }
0x64: {  	_ =	shalt  }
0x65: {  	_ =	shalt  }
0x66: {  	_ =	shalt  }
0x67: {  	_ =	shalt  }
0x68: {  	_ =	shalt  }
0x69: {  	_ =	shalt  }
0x6a: {  	_ =	shalt  }
0x6b: {  	_ =	shalt  }
0x6c: {  	_ =	shalt  }
0x6d: {  	_ =	shalt  }
0x6e: {  	_ =	shalt  }
0x6f: {  	_ =	shalt  }
0x70: {  	_ =	shalt  }
0x71: {  	_ =	shalt  }
0x72: {  	_ =	shalt  }
0x73: {  	_ =	shalt  }
0x74: {  	_ =	shalt  }
0x75: {  	_ =	shalt  }
0x76: {  	_ =	shalt  }
0x77: {  	_ =	shalt  }
0x78: {  	_ =	shalt  }
0x79: {  	_ =	shalt  }
0x7a: {  	_ =	shalt  }
0x7b: {  	_ =	shalt  }
0x7c: {  	_ =	shalt  }
0x7d: {  	_ =	shalt  }
0x7e: {  	_ =	shalt  }
0x7f: {  	_ =	shalt  }
0x80: {  	_ =	shalt  }
0x81: {  	_ =	shalt  }
0x82: {  	_ =	shalt  }
0x83: {  	_ =	shalt  }
0x84: {  	_ =	shalt  }
0x85: {  	_ =	shalt  }
0x86: {  	_ =	shalt  }
0x87: {  	_ =	shalt  }
.Lfunc_end0:
.L_simem_size_0:
called_computation_lowered:
.L_overlay_start_0:
0x88: {  	s2 =	sld [smem:$0x3FD9]  }
0x89: {  	s3 =	sld [smem:$0x3FFE];
	_ =	sdelay $0x1  }
0x8a: {  	s1 =	srdreg.scid  }
0x8b: {  	s0 =	sand.u32 $0x1, s1  }
0x8c: {  	s16 =	sshll.u32 s0, $0xA;
	s2 =	sadd.s32 s3, s2  }
0x8d: {  	s2 =	sadd.s32 s2, s16  }
0x8e: {  	[smem:$0x3FC6] =	sst s2  }
0x8f: {  	_ = 	snop  }
0x90: {  	(tm) =	ssettm $0x1  }
0x91: {  	s17 =	sld [smem:$0x3FFB];
	_ =	sdelay $0x3  }
0x92: {  	_ =	strace s17  }
0x93: {  	s2 =	sld [smem:$0x3FFC];
	_ =	sdelay $0x3  }
0x94: {  	_ =	strace s2  }
0x95: {  	s2 =	sld [smem:$0x3FFD];
	_ =	sdelay $0x3  }
0x96: {  	_ =	strace s2  }
0x97: {  	_ =	strace $0x8FFFFFFF  }
0x98: {  	s18 =	sld [smem:$0x3FDB];
	_ =	sdelay $0x1  }
0x99: {  	s19 =	simm.s32 $_scs_section_size  }
0x9a: {  	s4 =	simm.s32 $_size__tile_overlayer_lowered;
	s5 =	simm.s32 $_tile_overlayer_lowered  }
0x9b: {  	s22 =	simm.s32 $0x1BFF;
	s21 =	sshll.u32 s5, $0x1;
	s2 =	sadd.s32 s19, s18  }
0x9c: {  	s6 =	simm.s32 $0x0;
	s20 =	sshll.u32 s4, $0x1;
	s4 =	sadd.s32 s21, s2  }
0x9d: {  	[timem:s6], [sflag:s22] =	dma.local [hbm:s4], s20  }
0x9e: {  	_ =	swait.ge [sflag:s22], s20  }
0x9f: {  	s3 =	ssub.s32 $0x0, s20;
	[sflag:s22] =	ssyncset.done $0x0  }
0xa0: {  	[sflag:s22] =	ssyncadd.s32 s3;
	_ =	sdelay $0x1  }
0xa1: {  	s23 =	simm.s32 $0x1B8B  }
0xa2: {  	_ =	swait.ge [sflag:s23], $0x1  }
0xa3: {  	[sflag:s23] =	ssyncset.done $0x0  }
0xa4: {  	s25 =	simm.s32 $0x1B8E;
	s24 =	sld [smem:$0x3FFE];
	[sflag:s23] =	ssyncadd.s32 $0xFFFFFFFF  }
0xa5: {  	s26 =	simm.s32 $execute0_lowered;
	[smem:$0x3FD2] =	sst s25  }
0xa6: {  	s4 =	sshll.u32 s26, $0x1;
	_ =	strace $0x80000046;
	[dreg:$0x1] =	wrdreg $0xFFFFFFFF  }
0xa7: {  	s28 =	simm.s32 $_size_execute0_lowered;
	s2 =	sadd.s32 s2, s4;
	[dreg:$0x0] =	wrdreg $0x0  }
0xa8: {  	s4 =	sshll.u32 s28, $0x1;
	[dreg:$0x2] =	wrdreg s2  }
0xa9: {  	[dreg:$0x3] =	wrdreg s4  }
0xaa: {  	[dreg:$0x4] =	wrdreg $0xC0  }
0xab: {  	_ =	task [dreg:s6], $0x5FFFF  }
0xac: {  	[dreg:$0x1] =	wrdreg $0xFFFFFFFF  }
0xad: {  	[dreg:$0x0] =	wrdreg $0x60  }
0xae: {  	[dreg:$0x2] =	wrdreg s24  }
0xaf: {  	[dreg:$0x3] =	wrdreg $0x9  }
0xb0: {  	_ =	task.clear_ibuf [dreg:s6], $0x4FFFF;
	_ =	strace $0x90000046  }
0xb1: {  	s29 =	simm.s32 $0x9;
	_ =	strace $0x80000048  }
0xb2: {  	_ =	swait.ge [sflag:s29], $0x1  }
0xb3: {  	[sflag:s29] =	ssyncadd.s32 $0xFFFFFFFF  }
0xb4: {  	_ =	strace $0x90000048  }
0xb5: {  	_ =	sfence  }
0xb6: {  	s30 =	sld [smem:$0x0];
	_ =	sdelay $0x2  }
0xb7: {  	s31 =	sshll.u32 s1, $0xD;
	s1 =	sshrl.u32 s1, $0x2  }
0xb8: {  	s3 =	sand.u32 $0x4000, s31;
	s1 =	sadd.s32 s1, s30  }
0xb9: {  	s0 =	sor.u32 s3, s0;
	s1 =	sshll.u32 s1, $0x11  }
0xba: {  	s0 =	sor.u32 s1, s0  }
0xbb: {  	s0 =	sadd.s32 $0x8F2B, s0  }
0xbc: {  	[sflag:s0] =	ssyncadd.remote.s32 $0x1  }
0xbd: {  	_ =	sfence.sel $0xFFFF  }
0xbe: {  	[dreg:$0x0] =	wrdreg $0xFFFFFFFF;
	(pc) =	sbr.abs _section_cstart, $3  }
0xbf: {  	[dreg:$0x1] =	wrdreg $0xFFFFFFFF  }
0xc0: {  	_ =	task.clear_ibuf [dreg:s6], $0x2FFFF;
	_ =	strace $0x9FFFFFFF  }
0xc1: {  	(tm) =	ssettm $0x7FFFFFFF  }
tec
execute0_lowered:
.L_overlay_start_1:
0x0: {  	(tag) =	ssettag $0x1  }
0x1: {  	s1 =	srdreg.scid  }
0x2: {  	s0 =	stileid.u32;
	s9 =	rddreg [dreg:$0x0];
	s6 =	sand.u32 $0x1, s1  }
0x3: {  	s7 =	simm.s32 $0x80;
	s30 =	sshll.u32 s0, $0x4;
	s2 =	sshll.u32 s6, $0x3  }
0x4: {  	s8 =	simm.s32 $0x1;
	s1 =	rddreg [dreg:$0x1];
	s10 =	sor.u32 s2, s30  }
0x5: {  	s5 =	sadd.s32 $0x187A00, s9;
	s2 =	simm.s32 $0x0;
	s3 =	sshrl.u32 s10, $0x3  }
0x6: {  	s11 =	ssub.s32 $0x2, s6;
	[smem:$0x7FF] =	sst s2;
	s3 =	sadd.s32 s3, s9  }
0x7: {  	_ =	strace $0x80000047;
	s4 =	sadd.s32 $0x30E400, s3;
	s3 =	simm.s32 $0x2  }
0x8: {  	[tilespmem:s2], [sflag:$0x2] =	stream.linear.gather [hbm4b:s4+s2], $0x8, $0x38;
	[tilespmem:$0x480] =	vst v63  }
0x9: {  	s6 =	simm.s32 $0x8;
	s12 =	sshrl.u32 s11, $0x1;
	_ =	swait.ge [sflag:s3], $0x8  }
0xa: {  	s10 =	sshll.u32 s10, $0x4;
	s31 =	ssub.s32 s11, s12;
	[sflag:s3] =	ssyncset.done $0x0  }
0xb: {  	s9 =	sadd.s32 s10, s9;
	s10 =	smax.u32 s31, $0x1;
	[sflag:s3] =	ssyncadd.s32 $0xFFFFFFF8  }
0xc: {  	[tilespmem:s7], [sflag:$0x1] =	stream.indirect.gather [hbm4b:s5+s6], $0x80, s2, s6, $0xb8;
	[tilespmem:$0x480] =	vst v63  }
0xd: {  	p0 =	sne.s32 s10, $0x1;
	_ =	swait.ge [sflag:s8], $0x400  }
.Ltmp0:
0xe: {  	[sflag:s8] =	ssyncset.done $0x0;
	(pc) =	sbr.rel @!p0 .LBB2_2-.Ltmp0, $4  }
0xf: {  	s9 =	sadd.s32 $0x30E600, s9;
	[sflag:s8] =	ssyncadd.s32 $0xFFFFFC00  }
0x10: {  	[hbm4b:s9+s2] =	stream.linear.scatter [tilespmem:s7], [sflag:$0x2], $0x400, $0x38;
	[tilespmem:$0x480] =	vst v63  }
0x11: {  	_ =	swait.ge [sflag:s3], $0x400  }
0x12: {  	s10 =	sadd.s32 $0xFFFFFFFF, s10;
	[sflag:s3] =	ssyncset.done $0x0  }
.LBB2_1:
0x13: {  	p0 =	sne.s32 s10, $0x1;
	s10 =	sadd.s32 $0xFFFFFFFF, s10;
	[sflag:s3] =	ssyncadd.s32 $0xFFFFFC00  }
0x14: {  	[tilespmem:s2], [sflag:$0x2] =	stream.linear.gather [hbm4b:s4+s2], $0x8, $0x38;
	[tilespmem:$0x480] =	vst v63  }
0x15: {  	_ =	swait.ge [sflag:s3], $0x8  }
0x16: {  	[sflag:s3] =	ssyncset.done $0x0  }
0x17: {  	[sflag:s3] =	ssyncadd.s32 $0xFFFFFFF8  }
0x18: {  	[tilespmem:s7], [sflag:$0x1] =	stream.indirect.gather [hbm4b:s5+s6], $0x80, s2, s6, $0xb8;
	[tilespmem:$0x480] =	vst v63  }
0x19: {  	_ =	swait.ge [sflag:s8], $0x400  }
.Ltmp1:
0x1a: {  	[sflag:s8] =	ssyncset.done $0x0;
	(pc) =	sbr.rel @p0 .LBB2_1-.Ltmp1, $4  }
0x1b: {  	[sflag:s8] =	ssyncadd.s32 $0xFFFFFC00  }
0x1c: {  	[hbm4b:s9+s2] =	stream.linear.scatter [tilespmem:s7], [sflag:$0x2], $0x400, $0x38;
	[tilespmem:$0x480] =	vst v63  }
0x1d: {  	_ =	swait.ge [sflag:s3], $0x400  }
0x1e: {  	[sflag:s3] =	ssyncset.done $0x0  }
.LBB2_2:
0x1f: {  	[sflag:s3] =	ssyncadd.s32 $0xFFFFFC00  }
0x20: {  	_ =	sfence.sel $0x180000  }
0x21: {  	[bflag:$0x0] =	sbarrier.arrive $0xFFFF  }
0x22: {  	p0 =	sne.s32 s0, $0x0;
	_ =	strace $0x90000047  }
0x23: {  	s0 =	sadd.s32 @!p0 $0x100000, s1;
	[bflag:$0x2] =	sbarrier.arrive $0xFFFF  }
0x24: {  	[sflag:s0] =	ssyncadd.tile.s32 @!p0 $0x1;
	_ =	shalt  }
.Lfunc_end2:
_tile_overlayer_lowered:
.L_overlay_start_2:
0x25: {  	(tag) =	ssettag $0x2  }
0x26: {  	s0 =	rddreg [dreg:$0x0];
	s2 =	stileid.u32  }
0x27: {  	s1 =	rddreg [dreg:$0x1];
	p0 =	sne.s32 s2, $0x0  }
0x28: {  	s3 =	rddreg [dreg:$0x2];
	[bflag:$0x3] =	sbarrier.arrive $0xFFFF;
	s2 =	simm.s32 @!p0 $0x1C02  }
0x29: {  	[timem:s3], [sflag:s2] =	dma.local @!p0 [hbm:s0], s1  }
0x2a: {  	s0 =	simm.s32 @!p0 $0x2  }
0x2b: {  	_ =	swait.ge @!p0 [sflag:s0], s1  }
0x2c: {  	s1 =	ssub.s32 @!p0 $0x0, s1;
	[sflag:s0] =	ssyncset.done @!p0 $0x0  }
0x2d: {  	[sflag:s0] =	ssyncadd.s32 @!p0 s1  }
0x2e: {  	[bflag:$0x3] =	sbarrier.arrive $0xFFFF  }
0x2f: {  	_ =	shalt  }

</sc_bundles>
